<compile_context>
chip_gen: v7x
topology: tpu7x:2x2x1
jax: 0.10.2.dev20260603
libtpu: 0.0.44.dev20260713+nightly
codegen_flags: <defaults>
</compile_context>

<pallas_src>
import functools

import jax
import jax.numpy as jnp
from jax import lax
from jax.experimental import pallas as pl
from jax.experimental.pallas import tpu as pltpu
from jax.experimental.pallas import tpu_sc as plsc

_LN09 = -0.10536051565782628
_HI = lax.Precision.HIGHEST
_NT = (((1,), (1,)), ((), ()))

_NSUB = 16
_RPS = 512 // _NSUB


def _tc1_kernel(lufeat_ref, w1_ref, b1_ref, w2_ref, b2_ref,
                lbl_ref, start_ref, mbank_ref,
                h_ref, bank_ref, rows_ref):
    f32 = jnp.float32
    h1 = lax.dot_general(lufeat_ref[...], w1_ref[...], _NT,
                         preferred_element_type=f32) + b1_ref[...][None, :]
    h2 = lax.dot_general(h1, w2_ref[...], _NT,
                         preferred_element_type=f32) + b2_ref[...][None, :]
    nrm = jnp.sqrt(jnp.sum(h2 * h2, axis=1, keepdims=True))
    h = h2 / jnp.maximum(nrm, 1e-12)
    h_ref[...] = h

    @pl.when(pl.program_id(0) == 0)
    def _():
        lfeat = h
        lblr = lbl_ref[...][None, :]
        lblc = jnp.transpose(lblr)
        startr = start_ref[...][None, :]
        startc = jnp.transpose(startr)
        match = (lblc == lblr)
        ii = lax.broadcasted_iota(jnp.int32, (512, 512), 0)
        jj = lax.broadcasted_iota(jnp.int32, (512, 512), 1)
        pc = jnp.sum(jnp.where(match & (jj <= ii), 1.0, 0.0), axis=1, keepdims=True)
        cnt = jnp.sum(jnp.where(match, 1.0, 0.0), axis=1, keepdims=True)
        r = cnt - pc
        onehot_i = (lblc == jj)
        st_i = jnp.sum(jnp.where(onehot_i, startr, 0.0), axis=1,
                       keepdims=True)
        first = (pc == 1.0) & (st_i == 0.0)
        coeff = jnp.exp(r * _LN09) * jnp.where(first, 1.0, 0.1)
        rows = coeff * lfeat
        rows_ref[0] = rows[:, :128]
        rows_ref[1] = rows[:, 128:]
        onehot_t = (ii == lblr)
        cnt_c = jnp.sum(jnp.where(onehot_t, 1.0, 0.0), axis=1, keepdims=True)
        base = jnp.where((startc == 0.0) & (cnt_c > 0.0), 0.0,
                         jnp.exp(cnt_c * _LN09))
        bank = base * mbank_ref[...]
        bank_ref[0] = bank[:, :128]
        bank_ref[1] = bank[:, 128:]


def _sc_scatter(bank_hbm, rows_hbm, idx_hbm, out_hbm, idx_v, rows_v, bank_sh, sem):
    c = lax.axis_index("c")
    s = lax.axis_index("s")
    rb = s * _RPS
    cp1 = pltpu.async_copy(bank_hbm.at[c, pl.ds(rb, _RPS)],
                           bank_sh.at[pl.ds(rb, _RPS)], sem)
    cp2 = pltpu.async_copy(idx_hbm.at[pl.ds(rb, _RPS)], idx_v, sem)
    cp3 = pltpu.async_copy(rows_hbm.at[c, pl.ds(rb, _RPS)], rows_v, sem)
    cp1.wait()
    cp2.wait()
    cp3.wait()
    plsc.subcore_barrier()
    pltpu.sync_copy(rows_v, bank_sh.at[idx_v], add=True)
    plsc.subcore_barrier()
    pltpu.sync_copy(bank_sh.at[pl.ds(rb, _RPS)], out_hbm.at[c, pl.ds(rb, _RPS)])


def _tc2_kernel(h_ref, mbucs_ref, w3_ref, b3_ref, g1_ref, be1_ref,
                w4_ref, b4_ref, g2_ref, be2_ref, w5_ref, b5_ref,
                lsc_ref, usc_ref, mbu_ref):
    f32 = jnp.float32
    h = h_ref[...]
    ufeat = h[512:]
    mbu = jnp.concatenate([mbucs_ref[0], mbucs_ref[1]], axis=1)
    mbu_ref[...] = mbu

    g = lax.dot_general(h, mbu, _NT, preferred_element_type=f32,
                        precision=_HI)
    mn2 = lax.dot_general(jnp.ones((1, 256), f32), mbu * mbu, _NT,
                          preferred_element_type=f32, precision=_HI)
    d2 = jnp.maximum((1.0 + mn2) - 2.0 * g, 0.0)
    lsc_ref[...] = jnp.transpose(jnp.sqrt(jnp.min(d2[:512], axis=1, keepdims=True)))
    um = jnp.sqrt(d2[512:])

    w3 = w3_ref[...]
    z = (lax.dot_general(ufeat, w3[:, :256], _NT, preferred_element_type=f32)
         + lax.dot_general(um, w3[:, 256:], _NT, preferred_element_type=f32)
         + b3_ref[...][None, :])
    m1 = jnp.mean(z, axis=0, keepdims=True)
    v1 = jnp.mean((z - m1) * (z - m1), axis=0, keepdims=True)
    u1 = jnp.maximum(g1_ref[...][None, :] * (z - m1) / jnp.sqrt(v1 + 1e-5)
                     + be1_ref[...][None, :], 0.0)
    z2 = (lax.dot_general(u1, w4_ref[...], _NT, preferred_element_type=f32)
          + b4_ref[...][None, :])
    m2 = jnp.mean(z2, axis=0, keepdims=True)
    v2 = jnp.mean((z2 - m2) * (z2 - m2), axis=0, keepdims=True)
    u2 = jnp.maximum(g2_ref[...][None, :] * (z2 - m2) / jnp.sqrt(v2 + 1e-5)
                     + be2_ref[...][None, :], 0.0)
    usc_ref[...] = jnp.dot(u2, w5_ref[...], preferred_element_type=f32) + b5_ref[...][None, :]


@functools.partial(jax.jit, static_argnames=("interpret",))
def kernel(lufeat, llabel, mbank, start, W1, b1, W2, b2, W3, b3, W4, b4,
           W5, b5, g1, be1, g2, be2, interpret=False):
    f32 = jnp.float32
    lbl = llabel.astype(jnp.int32)
    _const = lambda *zeros: (lambda i: zeros)
    h, bank_cs, rows_cs = pl.pallas_call(
        _tc1_kernel,
        grid=(2,),
        in_specs=[
            pl.BlockSpec((512, 1024), lambda i: (i, 0)),
            pl.BlockSpec((512, 1024), _const(0, 0)),
            pl.BlockSpec((512,), _const(0)),
            pl.BlockSpec((256, 512), _const(0, 0)),
            pl.BlockSpec((256,), _const(0)),
            pl.BlockSpec((512,), _const(0)),
            pl.BlockSpec((512,), _const(0)),
            pl.BlockSpec((512, 256), _const(0, 0)),
        ],
        out_specs=[
            pl.BlockSpec((512, 256), lambda i: (i, 0)),
            pl.BlockSpec((2, 512, 128), _const(0, 0, 0)),
            pl.BlockSpec((2, 512, 128), _const(0, 0, 0)),
        ],
        out_shape=(
            jax.ShapeDtypeStruct((1024, 256), f32),
            jax.ShapeDtypeStruct((2, 512, 128), f32),
            jax.ShapeDtypeStruct((2, 512, 128), f32),
        ),
        interpret=interpret,
    )(lufeat, W1, b1, W2, b2, lbl, start, mbank)

    mesh = plsc.VectorSubcoreMesh(core_axis_name="c", subcore_axis_name="s")
    out_cs = pl.kernel(
        _sc_scatter,
        mesh=mesh,
        out_type=jax.ShapeDtypeStruct((2, 512, 128), f32),
        scratch_types=[
            pltpu.VMEM((_RPS,), jnp.int32),
            pltpu.VMEM((_RPS, 128), f32),
            pltpu.VMEM_SHARED((512, 128), f32),
            pltpu.SemaphoreType.DMA,
        ],
    )(bank_cs, rows_cs, lbl)

    lsc, usc, mbu = pl.pallas_call(
        _tc2_kernel,
        out_shape=(
            jax.ShapeDtypeStruct((1, 512), f32),
            jax.ShapeDtypeStruct((512, 1), f32),
            jax.ShapeDtypeStruct((512, 256), f32),
        ),
        interpret=interpret,
    )(h, out_cs, W3, b3, g1, be1, W4, b4, g2, be2,
      W5.reshape(64, 1), b5)
    return (lsc.reshape(512), usc, mbu)

# --- scband reference (transcript-rebuilt; emitter-appended) ---
"""Pipeline reference for scband-ulw-prd-net-46840913330482 (READ-ONLY COPY).

The authoritative reference and input builder live on the scoring server;
editing this copy changes nothing except your own understanding.
"""

import jax, jax.numpy as jnp
import numpy as np

NUM_CLASS = 512
DIMS = 256


def _bn(x, g, b):
    # torch BatchNorm1d in training mode: batch mean, biased variance, eps=1e-5
    m = jnp.mean(x, axis=0)
    v = jnp.var(x, axis=0)
    return g * (x - m) / jnp.sqrt(v + 1e-5) + b


def setup_inputs(seed: int = 0) -> dict:
    key = jax.random.key(seed)
    ks = jax.random.split(key, 20)
    inp = {}
    inp["lufeat"] = jax.random.normal(ks[0], (1024, 1024), dtype=jnp.float32)
    inp["llabel"] = jax.random.randint(ks[1], (512,), 0, NUM_CLASS, dtype=jnp.int64 if jax.config.read('jax_enable_x64') else jnp.int32)
    inp["mbank"] = jax.random.normal(ks[2], (NUM_CLASS, DIMS), dtype=jnp.float32)
    inp["start"] = jnp.zeros((NUM_CLASS,), dtype=jnp.float32)
    # learned parameters (torch Linear: W [out,in], b [out])
    inp["W1"] = jax.random.normal(ks[3], (512, 1024), dtype=jnp.float32) * 0.03
    inp["b1"] = jnp.zeros((512,), dtype=jnp.float32)
    inp["W2"] = jax.random.normal(ks[4], (DIMS, 512), dtype=jnp.float32) * 0.04
    inp["b2"] = jnp.zeros((DIMS,), dtype=jnp.float32)
    inp["W3"] = jax.random.normal(ks[5], (256, NUM_CLASS + DIMS), dtype=jnp.float32) * 0.03
    inp["b3"] = jnp.zeros((256,), dtype=jnp.float32)
    inp["W4"] = jax.random.normal(ks[6], (64, 256), dtype=jnp.float32) * 0.06
    inp["b4"] = jnp.zeros((64,), dtype=jnp.float32)
    inp["W5"] = jax.random.normal(ks[7], (1, 64), dtype=jnp.float32) * 0.12
    inp["b5"] = jnp.zeros((1,), dtype=jnp.float32)
    inp["g1"] = jnp.ones((256,), dtype=jnp.float32)
    inp["be1"] = jnp.zeros((256,), dtype=jnp.float32)
    inp["g2"] = jnp.ones((64,), dtype=jnp.float32)
    inp["be2"] = jnp.zeros((64,), dtype=jnp.float32)
    return inp


def reference(lufeat, llabel, mbank, start, W1, b1, W2, b2, W3, b3, W4, b4, W5, b5, g1, be1, g2, be2):
    B = lufeat.shape[0] // 2
    h = lufeat @ W1.T + b1
    h = h @ W2.T + b2
    nrm = jnp.linalg.norm(h, axis=1, keepdims=True)
    h = h / jnp.maximum(nrm, 1e-12)  # F.normalize(p=2, dim=1)
    lfeat = h[:B]
    ufeat = h[B:]

    # sequential EMA memory-bank scatter update (detached features)
    lfeat_d = jax.lax.stop_gradient(lfeat)

    def body(carry, xs):
        mb, st = carry
        il, f = xs
        is_new = st[il] == 0
        newv = jnp.where(is_new, f, 0.9 * mb[il] + 0.1 * f)
        mb = mb.at[il].set(newv)
        st = st.at[il].set(1.0)
        return (mb, st), None

    (mbank_u, start_u), _ = jax.lax.scan(body, (mbank, start), (llabel, lfeat_d))

    lm = jnp.linalg.norm(lfeat[:, None, :] - mbank_u[None, :, :], axis=-1)
    lscores = jnp.min(lm, axis=-1)

    um = jnp.linalg.norm(ufeat[:, None, :] - mbank_u[None, :, :], axis=-1)
    uc = jnp.concatenate([ufeat, um], axis=-1)
    u = jax.nn.relu(_bn(uc @ W3.T + b3, g1, be1))
    u = jax.nn.relu(_bn(u @ W4.T + b4, g2, be2))  # dropout treated as identity (eval)
    uscores = u @ W5.T + b5
    return (lscores, uscores, mbank_u)

if __name__ == "__main__":
    import jax
    _d = setup_inputs()
    print(jax.jit(kernel)(*tuple(_d.values())))

</pallas_src>

<mosaic_0001>
#map = affine_map<(d0, d1) -> (0, 0, 0)>
#map1 = affine_map<(d0, d1) -> (0)>
module attributes {stable_mosaic.version = 14 : i64} {
  func.func @_sc_scatter(%arg0: i32, %arg1: i32, %arg2: memref<2x512x128xf32, #tpu.memory_space<hbm>>, %arg3: memref<2x512x128xf32, #tpu.memory_space<hbm>>, %arg4: memref<512xi32, #tpu.memory_space<hbm>>, %arg5: memref<2x512x128xf32, #tpu.memory_space<hbm>>, %arg6: memref<32xi32, #tpu.memory_space<vmem>>, %arg7: memref<32x128xf32, #tpu.memory_space<vmem>>, %arg8: memref<512x128xf32, #tpu.memory_space<vmem_shared>>, %arg9: memref<!tpu.dma_semaphore, #tpu.memory_space<semaphore_mem>>) attributes {dimension_semantics = [#tpu.dimension_semantics<core_parallel>, #tpu.dimension_semantics<subcore_parallel>], iteration_bounds = array<i64: 2, 16>, scalar_prefetch = 0 : i64, scratch_operands = 4 : i64, tpu.core_type = #tpu.core_type<sc_vector_subcore>, window_params = [{transform_indices = #map}, {transform_indices = #map}, {transform_indices = #map1}, {transform_indices = #map}]} {
    %mul3A = arith.constant 32 : i32
    %mul3A_0 = arith.muli %arg1, %mul3A : i32
    %dma_start3A = arith.constant 0 : i32
    %dma_start3A_1 = tpu.memref_slice %arg8[%mul3A_0, %dma_start3A] : memref<512x128xf32, #tpu.memory_space<vmem_shared>> -> memref<32x128xf32, #tpu.memory_space<vmem_shared>>
    %dma_start3A_2 = arith.constant 0 : i32
    %dma_start3A_3 = tpu.memref_slice %arg2[%arg0, %mul3A_0, %dma_start3A_2] : memref<2x512x128xf32, #tpu.memory_space<hbm>> -> memref<1x32x128xf32, #tpu.memory_space<hbm>>
    %dma_start3A_4 = tpu.memref_squeeze %dma_start3A_3 : memref<1x32x128xf32, #tpu.memory_space<hbm>> -> memref<32x128xf32, #tpu.memory_space<hbm>>
    tpu.enqueue_dma source(%dma_start3A_4 : memref<32x128xf32, #tpu.memory_space<hbm>>) target(%dma_start3A_1 : memref<32x128xf32, #tpu.memory_space<vmem_shared>>) target_semaphore(%arg9 : memref<!tpu.dma_semaphore, #tpu.memory_space<semaphore_mem>>)
    %dma_start3A_5 = tpu.memref_slice %arg4[%mul3A_0] : memref<512xi32, #tpu.memory_space<hbm>> -> memref<32xi32, #tpu.memory_space<hbm>>
    %dma_start3A_6 = tpu.memref_slice %arg4[%mul3A_0] : memref<512xi32, #tpu.memory_space<hbm>> -> memref<32xi32, #tpu.memory_space<hbm>>
    tpu.enqueue_dma source(%dma_start3A_6 : memref<32xi32, #tpu.memory_space<hbm>>) target(%arg6 : memref<32xi32, #tpu.memory_space<vmem>>) target_semaphore(%arg9 : memref<!tpu.dma_semaphore, #tpu.memory_space<semaphore_mem>>)
    %dma_start3A_7 = arith.constant 0 : i32
    %dma_start3A_8 = tpu.memref_slice %arg3[%arg0, %mul3A_0, %dma_start3A_7] : memref<2x512x128xf32, #tpu.memory_space<hbm>> -> memref<1x32x128xf32, #tpu.memory_space<hbm>>
    %dma_start3A_9 = tpu.memref_squeeze %dma_start3A_8 : memref<1x32x128xf32, #tpu.memory_space<hbm>> -> memref<32x128xf32, #tpu.memory_space<hbm>>
    %dma_start3A_10 = arith.constant 0 : i32
    %dma_start3A_11 = tpu.memref_slice %arg3[%arg0, %mul3A_0, %dma_start3A_10] : memref<2x512x128xf32, #tpu.memory_space<hbm>> -> memref<1x32x128xf32, #tpu.memory_space<hbm>>
    %dma_start3A_12 = tpu.memref_squeeze %dma_start3A_11 : memref<1x32x128xf32, #tpu.memory_space<hbm>> -> memref<32x128xf32, #tpu.memory_space<hbm>>
    tpu.enqueue_dma source(%dma_start3A_12 : memref<32x128xf32, #tpu.memory_space<hbm>>) target(%arg7 : memref<32x128xf32, #tpu.memory_space<vmem>>) target_semaphore(%arg9 : memref<!tpu.dma_semaphore, #tpu.memory_space<semaphore_mem>>)
    %dma_wait3A = arith.constant 0 : i32
    %dma_wait3A_13 = tpu.memref_slice %arg8[%mul3A_0, %dma_wait3A] : memref<512x128xf32, #tpu.memory_space<vmem_shared>> -> memref<32x128xf32, #tpu.memory_space<vmem_shared>>
    %dma_wait3A_14 = arith.constant 0 : i32
    %dma_wait3A_15 = tpu.memref_slice %arg2[%arg0, %mul3A_0, %dma_wait3A_14] : memref<2x512x128xf32, #tpu.memory_space<hbm>> -> memref<1x32x128xf32, #tpu.memory_space<hbm>>
    %dma_wait3A_16 = tpu.memref_squeeze %dma_wait3A_15 : memref<1x32x128xf32, #tpu.memory_space<hbm>> -> memref<32x128xf32, #tpu.memory_space<hbm>>
    tpu.wait_dma2 semaphore(%arg9 : memref<!tpu.dma_semaphore, #tpu.memory_space<semaphore_mem>>) src(%dma_wait3A_16 : memref<32x128xf32, #tpu.memory_space<hbm>>) dst(%dma_wait3A_13 : memref<32x128xf32, #tpu.memory_space<vmem_shared>>)
    %dma_wait3A_17 = tpu.memref_slice %arg4[%mul3A_0] : memref<512xi32, #tpu.memory_space<hbm>> -> memref<32xi32, #tpu.memory_space<hbm>>
    %dma_wait3A_18 = tpu.memref_slice %arg4[%mul3A_0] : memref<512xi32, #tpu.memory_space<hbm>> -> memref<32xi32, #tpu.memory_space<hbm>>
    tpu.wait_dma2 semaphore(%arg9 : memref<!tpu.dma_semaphore, #tpu.memory_space<semaphore_mem>>) src(%dma_wait3A_18 : memref<32xi32, #tpu.memory_space<hbm>>) dst(%arg6 : memref<32xi32, #tpu.memory_space<vmem>>)
    %dma_wait3A_19 = arith.constant 0 : i32
    %dma_wait3A_20 = tpu.memref_slice %arg3[%arg0, %mul3A_0, %dma_wait3A_19] : memref<2x512x128xf32, #tpu.memory_space<hbm>> -> memref<1x32x128xf32, #tpu.memory_space<hbm>>
    %dma_wait3A_21 = tpu.memref_squeeze %dma_wait3A_20 : memref<1x32x128xf32, #tpu.memory_space<hbm>> -> memref<32x128xf32, #tpu.memory_space<hbm>>
    %dma_wait3A_22 = arith.constant 0 : i32
    %dma_wait3A_23 = tpu.memref_slice %arg3[%arg0, %mul3A_0, %dma_wait3A_22] : memref<2x512x128xf32, #tpu.memory_space<hbm>> -> memref<1x32x128xf32, #tpu.memory_space<hbm>>
    %dma_wait3A_24 = tpu.memref_squeeze %dma_wait3A_23 : memref<1x32x128xf32, #tpu.memory_space<hbm>> -> memref<32x128xf32, #tpu.memory_space<hbm>>
    tpu.wait_dma2 semaphore(%arg9 : memref<!tpu.dma_semaphore, #tpu.memory_space<semaphore_mem>>) src(%dma_wait3A_24 : memref<32x128xf32, #tpu.memory_space<hbm>>) dst(%arg7 : memref<32x128xf32, #tpu.memory_space<vmem>>)
    %barrier3A = arith.constant 0 : index
    tpu.barrier barrier_id(%barrier3A)
    "tpu.region"() ({
      %run_scoped3A = tpu.sem_alloc : memref<!tpu.dma_semaphore, #tpu.memory_space<semaphore_mem>>
      %dma_start3A_26 = arith.constant 0 : i32
      %dma_start3A_27 = arith.constant 0 : i32
      %dma_start3A_28 = tpu.memref_slice %arg8[%dma_start3A_26, %dma_start3A_27] : memref<512x128xf32, #tpu.memory_space<vmem_shared>> -> memref<512x128xf32, #tpu.memory_space<vmem_shared>>
      tpu.enqueue_indirect_dma source(%arg7 : memref<32x128xf32, #tpu.memory_space<vmem>>) target(%dma_start3A_28 : memref<512x128xf32, #tpu.memory_space<vmem_shared>>) offsets(%arg6 : memref<32xi32, #tpu.memory_space<vmem>>) semaphore(%run_scoped3A : memref<!tpu.dma_semaphore, #tpu.memory_space<semaphore_mem>>) {add = true}
      %dma_wait3A_29 = arith.constant 0 : i32
      %dma_wait3A_30 = arith.constant 0 : i32
      %dma_wait3A_31 = tpu.memref_slice %arg8[%dma_wait3A_29, %dma_wait3A_30] : memref<512x128xf32, #tpu.memory_space<vmem_shared>> -> memref<512x128xf32, #tpu.memory_space<vmem_shared>>
      tpu.wait_indirect_dma semaphore(%run_scoped3A : memref<!tpu.dma_semaphore, #tpu.memory_space<semaphore_mem>>) src(%arg7 : memref<32x128xf32, #tpu.memory_space<vmem>>) dst(%dma_wait3A_31 : memref<512x128xf32, #tpu.memory_space<vmem_shared>>)
      tpu.yield
    }) : () -> ()
    %barrier3A_25 = arith.constant 0 : index
    tpu.barrier barrier_id(%barrier3A_25)
    "tpu.region"() ({
      %run_scoped3A = tpu.sem_alloc : memref<!tpu.dma_semaphore, #tpu.memory_space<semaphore_mem>>
      %dma_start3A_26 = arith.constant 0 : i32
      %dma_start3A_27 = tpu.memref_slice %arg5[%arg0, %mul3A_0, %dma_start3A_26] : memref<2x512x128xf32, #tpu.memory_space<hbm>> -> memref<1x32x128xf32, #tpu.memory_space<hbm>>
      %dma_start3A_28 = tpu.memref_squeeze %dma_start3A_27 : memref<1x32x128xf32, #tpu.memory_space<hbm>> -> memref<32x128xf32, #tpu.memory_space<hbm>>
      %dma_start3A_29 = arith.constant 0 : i32
      %dma_start3A_30 = tpu.memref_slice %arg8[%mul3A_0, %dma_start3A_29] : memref<512x128xf32, #tpu.memory_space<vmem_shared>> -> memref<32x128xf32, #tpu.memory_space<vmem_shared>>
      tpu.enqueue_dma source(%dma_start3A_30 : memref<32x128xf32, #tpu.memory_space<vmem_shared>>) target(%dma_start3A_28 : memref<32x128xf32, #tpu.memory_space<hbm>>) target_semaphore(%run_scoped3A : memref<!tpu.dma_semaphore, #tpu.memory_space<semaphore_mem>>)
      %dma_wait3A_31 = arith.constant 0 : i32
      %dma_wait3A_32 = tpu.memref_slice %arg5[%arg0, %mul3A_0, %dma_wait3A_31] : memref<2x512x128xf32, #tpu.memory_space<hbm>> -> memref<1x32x128xf32, #tpu.memory_space<hbm>>
      %dma_wait3A_33 = tpu.memref_squeeze %dma_wait3A_32 : memref<1x32x128xf32, #tpu.memory_space<hbm>> -> memref<32x128xf32, #tpu.memory_space<hbm>>
      %dma_wait3A_34 = arith.constant 0 : i32
      %dma_wait3A_35 = tpu.memref_slice %arg8[%mul3A_0, %dma_wait3A_34] : memref<512x128xf32, #tpu.memory_space<vmem_shared>> -> memref<32x128xf32, #tpu.memory_space<vmem_shared>>
      tpu.wait_dma2 semaphore(%run_scoped3A : memref<!tpu.dma_semaphore, #tpu.memory_space<semaphore_mem>>) src(%dma_wait3A_35 : memref<32x128xf32, #tpu.memory_space<vmem_shared>>) dst(%dma_wait3A_33 : memref<32x128xf32, #tpu.memory_space<hbm>>)
      tpu.yield
    }) : () -> ()
    return
  }
}

module attributes {stable_mosaic.version = 14 : i64} {
  func.func @_tc2_kernel(%arg0: memref<1024x256xf32, #tpu.memory_space<vmem>>, %arg1: memref<2x512x128xf32, #tpu.memory_space<vmem>>, %arg2: memref<256x768xf32, #tpu.memory_space<vmem>>, %arg3: memref<256xf32, #tpu.memory_space<vmem>>, %arg4: memref<256xf32, #tpu.memory_space<vmem>>, %arg5: memref<256xf32, #tpu.memory_space<vmem>>, %arg6: memref<64x256xf32, #tpu.memory_space<vmem>>, %arg7: memref<64xf32, #tpu.memory_space<vmem>>, %arg8: memref<64xf32, #tpu.memory_space<vmem>>, %arg9: memref<64xf32, #tpu.memory_space<vmem>>, %arg10: memref<64x1xf32, #tpu.memory_space<vmem>>, %arg11: memref<1xf32, #tpu.memory_space<vmem>>, %arg12: memref<1x512xf32, #tpu.memory_space<vmem>>, %arg13: memref<512x1xf32, #tpu.memory_space<vmem>>, %arg14: memref<512x256xf32, #tpu.memory_space<vmem>>) attributes {dimension_semantics = [], scalar_prefetch = 0 : i64, scratch_operands = 0 : i64, tpu.core_type = #tpu.core_type<tc>} {
    %get3A = arith.constant 0 : index
    %get3A_0 = arith.constant 0 : index
    %get3A_1 = vector.load %arg0[%get3A, %get3A_0] : memref<1024x256xf32, #tpu.memory_space<vmem>>, vector<1024x256xf32>
    %slice3A = vector.extract_strided_slice %get3A_1 {offsets = [512, 0], sizes = [512, 256], strides = [1, 1]} : vector<1024x256xf32> to vector<512x256xf32>
    %get3A_2 = arith.constant 0 : index
    %get3A_3 = arith.constant 0 : index
    %get3A_4 = arith.constant 0 : index
    %get3A_5 = vector.load %arg1[%get3A_2, %get3A_3, %get3A_4] : memref<2x512x128xf32, #tpu.memory_space<vmem>>, vector<1x512x128xf32>
    %get3A_6 = vector.shape_cast %get3A_5 : vector<1x512x128xf32> to vector<512x128xf32>
    %get3A_7 = arith.constant 1 : index
    %get3A_8 = arith.constant 0 : index
    %get3A_9 = arith.constant 0 : index
    %get3A_10 = vector.load %arg1[%get3A_7, %get3A_8, %get3A_9] : memref<2x512x128xf32, #tpu.memory_space<vmem>>, vector<1x512x128xf32>
    %get3A_11 = vector.shape_cast %get3A_10 : vector<1x512x128xf32> to vector<512x128xf32>
    %concatenate3A = tpu.concatenate %get3A_6, %get3A_11 in 1 : vector<512x128xf32>, vector<512x128xf32> -> vector<512x256xf32>
    %swap3A = arith.constant 0 : index
    %swap3A_12 = arith.constant 0 : index
    %swap3A_13 = vector.load %arg14[%swap3A, %swap3A_12] : memref<512x256xf32, #tpu.memory_space<vmem>>, vector<512x256xf32>
    tpu.vector_store %arg14[%swap3A, %swap3A_12], %concatenate3A {strides = array<i32>} : memref<512x256xf32, #tpu.memory_space<vmem>>, vector<512x256xf32>,
    %dot_general3A = arith.constant dense<0.000000e+00> : vector<1024x512xf32>
    %dot_general3A_14 = tpu.matmul %get3A_1, %concatenate3A, %dot_general3A {dimension_numbers = #tpu.dot_dimension_numbers<[1], [1], [0], [0], [0, 0, 1, 0], [], []>, precision = #tpu.contract_precision<fp32>, transpose_lhs_hint = false} : vector<1024x256xf32>, vector<512x256xf32>, vector<1024x512xf32> -> vector<1024x512xf32>
    %broadcast_in_dim3A = arith.constant 1.000000e+00 : f32
    %broadcast_in_dim3A_15 = vector.broadcast %broadcast_in_dim3A : f32 to vector<1x256xf32>
    %mul3A = arith.mulf %concatenate3A, %concatenate3A : vector<512x256xf32>
    %dot_general3A_16 = arith.constant dense<0.000000e+00> : vector<1x512xf32>
    %dot_general3A_17 = tpu.matmul %broadcast_in_dim3A_15, %mul3A, %dot_general3A_16 {dimension_numbers = #tpu.dot_dimension_numbers<[1], [1], [0], [0], [0, 0, 1, 0], [], []>, precision = #tpu.contract_precision<fp32>, transpose_lhs_hint = false} : vector<1x256xf32>, vector<512x256xf32>, vector<1x512xf32> -> vector<1x512xf32>
    %add3A = arith.constant 1.000000e+00 : f32
    %add3A_18 = vector.broadcast %add3A : f32 to vector<1x512xf32>
    %add3A_19 = arith.addf %add3A_18, %dot_general3A_17 : vector<1x512xf32>
    %mul3A_20 = arith.constant 2.000000e+00 : f32
    %mul3A_21 = vector.broadcast %mul3A_20 : f32 to vector<1024x512xf32>
    %mul3A_22 = arith.mulf %mul3A_21, %dot_general3A_14 : vector<1024x512xf32>
    %sub3A = vector.broadcast %add3A_19 : vector<1x512xf32> to vector<1024x512xf32>
    %sub3A_23 = arith.subf %sub3A, %mul3A_22 : vector<1024x512xf32>
    %max3A = arith.constant 0.000000e+00 : f32
    %max3A_24 = vector.broadcast %max3A : f32 to vector<1024x512xf32>
    %max3A_25 = arith.maximumf %sub3A_23, %max3A_24 : vector<1024x512xf32>
    %slice3A_26 = vector.extract_strided_slice %max3A_25 {offsets = [0, 0], sizes = [512, 512], strides = [1, 1]} : vector<1024x512xf32> to vector<512x512xf32>
    %reduce_min3A = arith.constant dense<0x7F800000> : vector<512xf32>
    %reduce_min3A_27 = vector.multi_reduction <minimumf>, %slice3A_26, %reduce_min3A [1] : vector<512x512xf32> to vector<512xf32>
    %broadcast_in_dim3A_28 = vector.shape_cast %reduce_min3A_27 : vector<512xf32> to vector<512x1xf32>
    %sqrt3A = math.sqrt %broadcast_in_dim3A_28 : vector<512x1xf32>
    %transpose3A = tpu.transpose %sqrt3A, [1, 0] : vector<512x1xf32> -> vector<1x512xf32>
    %swap3A_29 = arith.constant 0 : index
    %swap3A_30 = arith.constant 0 : index
    %swap3A_31 = vector.load %arg12[%swap3A_29, %swap3A_30] : memref<1x512xf32, #tpu.memory_space<vmem>>, vector<1x512xf32>
    tpu.vector_store %arg12[%swap3A_29, %swap3A_30], %transpose3A {strides = array<i32>} : memref<1x512xf32, #tpu.memory_space<vmem>>, vector<1x512xf32>,
    %slice3A_32 = vector.extract_strided_slice %max3A_25 {offsets = [512, 0], sizes = [512, 512], strides = [1, 1]} : vector<1024x512xf32> to vector<512x512xf32>
    %sqrt3A_33 = math.sqrt %slice3A_32 : vector<512x512xf32>
    %get3A_34 = arith.constant 0 : index
    %get3A_35 = arith.constant 0 : index
    %get3A_36 = vector.load %arg2[%get3A_34, %get3A_35] : memref<256x768xf32, #tpu.memory_space<vmem>>, vector<256x768xf32>
    %slice3A_37 = vector.extract_strided_slice %get3A_36 {offsets = [0, 0], sizes = [256, 256], strides = [1, 1]} : vector<256x768xf32> to vector<256x256xf32>
    %dot_general3A_38 = arith.constant dense<0.000000e+00> : vector<512x256xf32>
    %dot_general3A_39 = tpu.matmul %slice3A, %slice3A_37, %dot_general3A_38 {dimension_numbers = #tpu.dot_dimension_numbers<[1], [1], [0], [0], [0, 0, 1, 0], [], []>, transpose_lhs_hint = false} : vector<512x256xf32>, vector<256x256xf32>, vector<512x256xf32> -> vector<512x256xf32>
    %slice3A_40 = vector.extract_strided_slice %get3A_36 {offsets = [0, 256], sizes = [256, 512], strides = [1, 1]} : vector<256x768xf32> to vector<256x512xf32>
    %dot_general3A_41 = arith.constant dense<0.000000e+00> : vector<512x256xf32>
    %dot_general3A_42 = tpu.matmul %sqrt3A_33, %slice3A_40, %dot_general3A_41 {dimension_numbers = #tpu.dot_dimension_numbers<[1], [1], [0], [0], [0, 0, 1, 0], [], []>, transpose_lhs_hint = false} : vector<512x512xf32>, vector<256x512xf32>, vector<512x256xf32> -> vector<512x256xf32>
    %add3A_43 = arith.addf %dot_general3A_39, %dot_general3A_42 : vector<512x256xf32>
    %get3A_44 = arith.constant 0 : index
    %get3A_45 = vector.load %arg3[%get3A_44] : memref<256xf32, #tpu.memory_space<vmem>>, vector<256xf32>
    %broadcast_in_dim3A_46 = vector.shape_cast %get3A_45 : vector<256xf32> to vector<1x256xf32>
    %add3A_47 = vector.broadcast %broadcast_in_dim3A_46 : vector<1x256xf32> to vector<512x256xf32>
    %add3A_48 = arith.addf %add3A_43, %add3A_47 : vector<512x256xf32>
    %reduce_sum3A = arith.constant dense<0.000000e+00> : vector<256xf32>
    %reduce_sum3A_49 = vector.multi_reduction <add>, %add3A_48, %reduce_sum3A [0] : vector<512x256xf32> to vector<256xf32>
    %broadcast_in_dim3A_50 = vector.shape_cast %reduce_sum3A_49 : vector<256xf32> to vector<1x256xf32>
    %div3A = arith.constant 5.120000e+02 : f32
    %div3A_51 = vector.broadcast %div3A : f32 to vector<1x256xf32>
    %div3A_52 = arith.divf %broadcast_in_dim3A_50, %div3A_51 : vector<1x256xf32>
    %sub3A_53 = vector.broadcast %div3A_52 : vector<1x256xf32> to vector<512x256xf32>
    %sub3A_54 = arith.subf %add3A_48, %sub3A_53 : vector<512x256xf32>
    %sub3A_55 = vector.broadcast %div3A_52 : vector<1x256xf32> to vector<512x256xf32>
    %sub3A_56 = arith.subf %add3A_48, %sub3A_55 : vector<512x256xf32>
    %mul3A_57 = arith.mulf %sub3A_54, %sub3A_56 : vector<512x256xf32>
    %reduce_sum3A_58 = arith.constant dense<0.000000e+00> : vector<256xf32>
    %reduce_sum3A_59 = vector.multi_reduction <add>, %mul3A_57, %reduce_sum3A_58 [0] : vector<512x256xf32> to vector<256xf32>
    %broadcast_in_dim3A_60 = vector.shape_cast %reduce_sum3A_59 : vector<256xf32> to vector<1x256xf32>
    %div3A_61 = arith.constant 5.120000e+02 : f32
    %div3A_62 = vector.broadcast %div3A_61 : f32 to vector<1x256xf32>
    %div3A_63 = arith.divf %broadcast_in_dim3A_60, %div3A_62 : vector<1x256xf32>
    %get3A_64 = arith.constant 0 : index
    %get3A_65 = vector.load %arg4[%get3A_64] : memref<256xf32, #tpu.memory_space<vmem>>, vector<256xf32>
    %broadcast_in_dim3A_66 = vector.shape_cast %get3A_65 : vector<256xf32> to vector<1x256xf32>
    %sub3A_67 = vector.broadcast %div3A_52 : vector<1x256xf32> to vector<512x256xf32>
    %sub3A_68 = arith.subf %add3A_48, %sub3A_67 : vector<512x256xf32>
    %mul3A_69 = vector.broadcast %broadcast_in_dim3A_66 : vector<1x256xf32> to vector<512x256xf32>
    %mul3A_70 = arith.mulf %mul3A_69, %sub3A_68 : vector<512x256xf32>
    %add3A_71 = arith.constant 9.99999974E-6 : f32
    %add3A_72 = vector.broadcast %add3A_71 : f32 to vector<1x256xf32>
    %add3A_73 = arith.addf %div3A_63, %add3A_72 : vector<1x256xf32>
    %sqrt3A_74 = math.sqrt %add3A_73 : vector<1x256xf32>
    %div3A_75 = vector.broadcast %sqrt3A_74 : vector<1x256xf32> to vector<512x256xf32>
    %div3A_76 = arith.divf %mul3A_70, %div3A_75 : vector<512x256xf32>
    %get3A_77 = arith.constant 0 : index
    %get3A_78 = vector.load %arg5[%get3A_77] : memref<256xf32, #tpu.memory_space<vmem>>, vector<256xf32>
    %broadcast_in_dim3A_79 = vector.shape_cast %get3A_78 : vector<256xf32> to vector<1x256xf32>
    %add3A_80 = vector.broadcast %broadcast_in_dim3A_79 : vector<1x256xf32> to vector<512x256xf32>
    %add3A_81 = arith.addf %div3A_76, %add3A_80 : vector<512x256xf32>
    %max3A_82 = arith.constant 0.000000e+00 : f32
    %max3A_83 = vector.broadcast %max3A_82 : f32 to vector<512x256xf32>
    %max3A_84 = arith.maximumf %add3A_81, %max3A_83 : vector<512x256xf32>
    %get3A_85 = arith.constant 0 : index
    %get3A_86 = arith.constant 0 : index
    %get3A_87 = vector.load %arg6[%get3A_85, %get3A_86] : memref<64x256xf32, #tpu.memory_space<vmem>>, vector<64x256xf32>
    %dot_general3A_88 = arith.constant dense<0.000000e+00> : vector<512x64xf32>
    %dot_general3A_89 = tpu.matmul %max3A_84, %get3A_87, %dot_general3A_88 {dimension_numbers = #tpu.dot_dimension_numbers<[1], [1], [0], [0], [0, 0, 1, 0], [], []>, transpose_lhs_hint = false} : vector<512x256xf32>, vector<64x256xf32>, vector<512x64xf32> -> vector<512x64xf32>
    %get3A_90 = arith.constant 0 : index
    %get3A_91 = vector.load %arg7[%get3A_90] : memref<64xf32, #tpu.memory_space<vmem>>, vector<64xf32>
    %broadcast_in_dim3A_92 = vector.shape_cast %get3A_91 : vector<64xf32> to vector<1x64xf32>
    %add3A_93 = vector.broadcast %broadcast_in_dim3A_92 : vector<1x64xf32> to vector<512x64xf32>
    %add3A_94 = arith.addf %dot_general3A_89, %add3A_93 : vector<512x64xf32>
    %reduce_sum3A_95 = arith.constant dense<0.000000e+00> : vector<64xf32>
    %reduce_sum3A_96 = vector.multi_reduction <add>, %add3A_94, %reduce_sum3A_95 [0] : vector<512x64xf32> to vector<64xf32>
    %broadcast_in_dim3A_97 = vector.shape_cast %reduce_sum3A_96 : vector<64xf32> to vector<1x64xf32>
    %div3A_98 = arith.constant 5.120000e+02 : f32
    %div3A_99 = vector.broadcast %div3A_98 : f32 to vector<1x64xf32>
    %div3A_100 = arith.divf %broadcast_in_dim3A_97, %div3A_99 : vector<1x64xf32>
    %sub3A_101 = vector.broadcast %div3A_100 : vector<1x64xf32> to vector<512x64xf32>
    %sub3A_102 = arith.subf %add3A_94, %sub3A_101 : vector<512x64xf32>
    %sub3A_103 = vector.broadcast %div3A_100 : vector<1x64xf32> to vector<512x64xf32>
    %sub3A_104 = arith.subf %add3A_94, %sub3A_103 : vector<512x64xf32>
    %mul3A_105 = arith.mulf %sub3A_102, %sub3A_104 : vector<512x64xf32>
    %reduce_sum3A_106 = arith.constant dense<0.000000e+00> : vector<64xf32>
    %reduce_sum3A_107 = vector.multi_reduction <add>, %mul3A_105, %reduce_sum3A_106 [0] : vector<512x64xf32> to vector<64xf32>
    %broadcast_in_dim3A_108 = vector.shape_cast %reduce_sum3A_107 : vector<64xf32> to vector<1x64xf32>
    %div3A_109 = arith.constant 5.120000e+02 : f32
    %div3A_110 = vector.broadcast %div3A_109 : f32 to vector<1x64xf32>
    %div3A_111 = arith.divf %broadcast_in_dim3A_108, %div3A_110 : vector<1x64xf32>
    %get3A_112 = arith.constant 0 : index
    %get3A_113 = vector.load %arg8[%get3A_112] : memref<64xf32, #tpu.memory_space<vmem>>, vector<64xf32>
    %broadcast_in_dim3A_114 = vector.shape_cast %get3A_113 : vector<64xf32> to vector<1x64xf32>
    %sub3A_115 = vector.broadcast %div3A_100 : vector<1x64xf32> to vector<512x64xf32>
    %sub3A_116 = arith.subf %add3A_94, %sub3A_115 : vector<512x64xf32>
    %mul3A_117 = vector.broadcast %broadcast_in_dim3A_114 : vector<1x64xf32> to vector<512x64xf32>
    %mul3A_118 = arith.mulf %mul3A_117, %sub3A_116 : vector<512x64xf32>
    %add3A_119 = arith.constant 9.99999974E-6 : f32
    %add3A_120 = vector.broadcast %add3A_119 : f32 to vector<1x64xf32>
    %add3A_121 = arith.addf %div3A_111, %add3A_120 : vector<1x64xf32>
    %sqrt3A_122 = math.sqrt %add3A_121 : vector<1x64xf32>
    %div3A_123 = vector.broadcast %sqrt3A_122 : vector<1x64xf32> to vector<512x64xf32>
    %div3A_124 = arith.divf %mul3A_118, %div3A_123 : vector<512x64xf32>
    %get3A_125 = arith.constant 0 : index
    %get3A_126 = vector.load %arg9[%get3A_125] : memref<64xf32, #tpu.memory_space<vmem>>, vector<64xf32>
    %broadcast_in_dim3A_127 = vector.shape_cast %get3A_126 : vector<64xf32> to vector<1x64xf32>
    %add3A_128 = vector.broadcast %broadcast_in_dim3A_127 : vector<1x64xf32> to vector<512x64xf32>
    %add3A_129 = arith.addf %div3A_124, %add3A_128 : vector<512x64xf32>
    %max3A_130 = arith.constant 0.000000e+00 : f32
    %max3A_131 = vector.broadcast %max3A_130 : f32 to vector<512x64xf32>
    %max3A_132 = arith.maximumf %add3A_129, %max3A_131 : vector<512x64xf32>
    %get3A_133 = arith.constant 0 : index
    %get3A_134 = arith.constant 0 : index
    %get3A_135 = vector.load %arg10[%get3A_133, %get3A_134] : memref<64x1xf32, #tpu.memory_space<vmem>>, vector<64x1xf32>
    %dot_general3A_136 = arith.constant dense<0.000000e+00> : vector<512x1xf32>
    %dot_general3A_137 = tpu.matmul %max3A_132, %get3A_135, %dot_general3A_136 {dimension_numbers = #tpu.dot_dimension_numbers<[1], [0], [0], [1], [0, 0, 1, 1], [], []>, transpose_lhs_hint = false} : vector<512x64xf32>, vector<64x1xf32>, vector<512x1xf32> -> vector<512x1xf32>
    %get3A_138 = arith.constant 0 : index
    %get3A_139 = vector.load %arg11[%get3A_138] : memref<1xf32, #tpu.memory_space<vmem>>, vector<1xf32>
    %broadcast_in_dim3A_140 = vector.shape_cast %get3A_139 : vector<1xf32> to vector<1x1xf32>
    %add3A_141 = vector.broadcast %broadcast_in_dim3A_140 : vector<1x1xf32> to vector<512x1xf32>
    %add3A_142 = arith.addf %dot_general3A_137, %add3A_141 : vector<512x1xf32>
    %swap3A_143 = arith.constant 0 : index
    %swap3A_144 = arith.constant 0 : index
    %swap3A_145 = vector.load %arg13[%swap3A_143, %swap3A_144] : memref<512x1xf32, #tpu.memory_space<vmem>>, vector<512x1xf32>
    tpu.vector_store %arg13[%swap3A_143, %swap3A_144], %add3A_142 {strides = array<i32>} : memref<512x1xf32, #tpu.memory_space<vmem>>, vector<512x1xf32>,
    return
  }
}

module attributes {stable_mosaic.version = 14 : i64} {
  func.func @_tc1_kernel(%arg0: i32, %arg1: memref<512x1024xf32, #tpu.memory_space<vmem>>, %arg2: memref<512x1024xf32, #tpu.memory_space<vmem>>, %arg3: memref<512xf32, #tpu.memory_space<vmem>>, %arg4: memref<256x512xf32, #tpu.memory_space<vmem>>, %arg5: memref<256xf32, #tpu.memory_space<vmem>>, %arg6: memref<512xi32, #tpu.memory_space<vmem>>, %arg7: memref<512xf32, #tpu.memory_space<vmem>>, %arg8: memref<512x256xf32, #tpu.memory_space<vmem>>, %arg9: memref<512x256xf32, #tpu.memory_space<vmem>>, %arg10: memref<2x512x128xf32, #tpu.memory_space<vmem>>, %arg11: memref<2x512x128xf32, #tpu.memory_space<vmem>>) attributes {dimension_semantics = [#tpu.dimension_semantics<arbitrary>], iteration_bounds = array<i64: 2>, scalar_prefetch = 0 : i64, scratch_operands = 0 : i64, tpu.core_type = #tpu.core_type<tc>, window_params = [{transform_indices = @transform_0, window_bounds = array<i64: 512, 1024>}, {pipeline_mode = #tpu.pipeline_mode<synchronous>, transform_indices = @transform_1, window_bounds = array<i64: 512, 1024>}, {pipeline_mode = #tpu.pipeline_mode<synchronous>, transform_indices = @transform_2, window_bounds = array<i64: 512>}, {pipeline_mode = #tpu.pipeline_mode<synchronous>, transform_indices = @transform_3, window_bounds = array<i64: 256, 512>}, {pipeline_mode = #tpu.pipeline_mode<synchronous>, transform_indices = @transform_4, window_bounds = array<i64: 256>}, {pipeline_mode = #tpu.pipeline_mode<synchronous>, transform_indices = @transform_5, window_bounds = array<i64: 512>}, {pipeline_mode = #tpu.pipeline_mode<synchronous>, transform_indices = @transform_6, window_bounds = array<i64: 512>}, {pipeline_mode = #tpu.pipeline_mode<synchronous>, transform_indices = @transform_7, window_bounds = array<i64: 512, 256>}, {transform_indices = @transform_8, window_bounds = array<i64: 512, 256>}, {pipeline_mode = #tpu.pipeline_mode<synchronous>, transform_indices = @transform_9, window_bounds = array<i64: 2, 512, 128>}, {pipeline_mode = #tpu.pipeline_mode<synchronous>, transform_indices = @transform_10, window_bounds = array<i64: 2, 512, 128>}]} {
    %get3A = arith.constant 0 : index
    %get3A_0 = arith.constant 0 : index
    %get3A_1 = vector.load %arg1[%get3A, %get3A_0] : memref<512x1024xf32, #tpu.memory_space<vmem>>, vector<512x1024xf32>
    %get3A_2 = arith.constant 0 : index
    %get3A_3 = arith.constant 0 : index
    %get3A_4 = vector.load %arg2[%get3A_2, %get3A_3] : memref<512x1024xf32, #tpu.memory_space<vmem>>, vector<512x1024xf32>
    %dot_general3A = arith.constant dense<0.000000e+00> : vector<512x512xf32>
    %dot_general3A_5 = tpu.matmul %get3A_1, %get3A_4, %dot_general3A {dimension_numbers = #tpu.dot_dimension_numbers<[1], [1], [0], [0], [0, 0, 1, 0], [], []>, transpose_lhs_hint = false} : vector<512x1024xf32>, vector<512x1024xf32>, vector<512x512xf32> -> vector<512x512xf32>
    %get3A_6 = arith.constant 0 : index
    %get3A_7 = vector.load %arg3[%get3A_6] : memref<512xf32, #tpu.memory_space<vmem>>, vector<512xf32>
    %broadcast_in_dim3A = vector.shape_cast %get3A_7 : vector<512xf32> to vector<1x512xf32>
    %add3A = vector.broadcast %broadcast_in_dim3A : vector<1x512xf32> to vector<512x512xf32>
    %add3A_8 = arith.addf %dot_general3A_5, %add3A : vector<512x512xf32>
    %get3A_9 = arith.constant 0 : index
    %get3A_10 = arith.constant 0 : index
    %get3A_11 = vector.load %arg4[%get3A_9, %get3A_10] : memref<256x512xf32, #tpu.memory_space<vmem>>, vector<256x512xf32>
    %dot_general3A_12 = arith.constant dense<0.000000e+00> : vector<512x256xf32>
    %dot_general3A_13 = tpu.matmul %add3A_8, %get3A_11, %dot_general3A_12 {dimension_numbers = #tpu.dot_dimension_numbers<[1], [1], [0], [0], [0, 0, 1, 0], [], []>, transpose_lhs_hint = false} : vector<512x512xf32>, vector<256x512xf32>, vector<512x256xf32> -> vector<512x256xf32>
    %get3A_14 = arith.constant 0 : index
    %get3A_15 = vector.load %arg5[%get3A_14] : memref<256xf32, #tpu.memory_space<vmem>>, vector<256xf32>
    %broadcast_in_dim3A_16 = vector.shape_cast %get3A_15 : vector<256xf32> to vector<1x256xf32>
    %add3A_17 = vector.broadcast %broadcast_in_dim3A_16 : vector<1x256xf32> to vector<512x256xf32>
    %add3A_18 = arith.addf %dot_general3A_13, %add3A_17 : vector<512x256xf32>
    %mul3A = arith.mulf %add3A_18, %add3A_18 : vector<512x256xf32>
    %reduce_sum3A = arith.constant dense<0.000000e+00> : vector<512xf32>
    %reduce_sum3A_19 = vector.multi_reduction <add>, %mul3A, %reduce_sum3A [1] : vector<512x256xf32> to vector<512xf32>
    %broadcast_in_dim3A_20 = vector.shape_cast %reduce_sum3A_19 : vector<512xf32> to vector<512x1xf32>
    %sqrt3A = math.sqrt %broadcast_in_dim3A_20 : vector<512x1xf32>
    %max3A = arith.constant 9.99999996E-13 : f32
    %max3A_21 = vector.broadcast %max3A : f32 to vector<512x1xf32>
    %max3A_22 = arith.maximumf %sqrt3A, %max3A_21 : vector<512x1xf32>
    %div3A = vector.broadcast %max3A_22 : vector<512x1xf32> to vector<512x256xf32>
    %div3A_23 = arith.divf %add3A_18, %div3A : vector<512x256xf32>
    %swap3A = arith.constant 0 : index
    %swap3A_24 = arith.constant 0 : index
    %swap3A_25 = vector.load %arg9[%swap3A, %swap3A_24] : memref<512x256xf32, #tpu.memory_space<vmem>>, vector<512x256xf32>
    tpu.vector_store %arg9[%swap3A, %swap3A_24], %div3A_23 {strides = array<i32>} : memref<512x256xf32, #tpu.memory_space<vmem>>, vector<512x256xf32>,
    %eq3A = arith.constant 0 : i32
    %eq3A_26 = arith.cmpi eq, %arg0, %eq3A : i32
    %convert_element_type3A = arith.extui %eq3A_26 : i1 to i32
    %cond3A = arith.constant 0 : i32
    %cond3A_27 = arith.cmpi ne, %convert_element_type3A, %cond3A : i32
    scf.if %cond3A_27 {
      %get3A_28 = arith.constant 0 : index
      %get3A_29 = vector.load %arg6[%get3A_28] : memref<512xi32, #tpu.memory_space<vmem>>, vector<512xi32>
      %broadcast_in_dim3A_30 = vector.shape_cast %get3A_29 : vector<512xi32> to vector<1x512xi32>
      %transpose3A = tpu.transpose %broadcast_in_dim3A_30, [1, 0] : vector<1x512xi32> -> vector<512x1xi32>
      %get3A_31 = arith.constant 0 : index
      %get3A_32 = vector.load %arg7[%get3A_31] : memref<512xf32, #tpu.memory_space<vmem>>, vector<512xf32>
      %broadcast_in_dim3A_33 = vector.shape_cast %get3A_32 : vector<512xf32> to vector<1x512xf32>
      %transpose3A_34 = tpu.transpose %broadcast_in_dim3A_33, [1, 0] : vector<1x512xf32> -> vector<512x1xf32>
      %eq3A_35 = vector.broadcast %transpose3A : vector<512x1xi32> to vector<512x512xi32>
      %eq3A_36 = vector.broadcast %broadcast_in_dim3A_30 : vector<1x512xi32> to vector<512x512xi32>
      %eq3A_37 = arith.cmpi eq, %eq3A_35, %eq3A_36 : vector<512x512xi32>
      %iota3A = tpu.iota {dimensions = array<i32: 0>} : vector<512x512xi32>
      %iota3A_38 = tpu.iota {dimensions = array<i32: 1>} : vector<512x512xi32>
      %le3A = arith.cmpi sle, %iota3A_38, %iota3A : vector<512x512xi32>
      %and3A = arith.andi %eq3A_37, %le3A : vector<512x512xi1>
      %jit3A = arith.constant 1.000000e+00 : f32
      %jit3A_39 = arith.constant 0.000000e+00 : f32
      %broadcast_in_dim3A_40 = vector.broadcast %jit3A : f32 to vector<512x512xf32>
      %broadcast_in_dim3A_41 = vector.broadcast %jit3A_39 : f32 to vector<512x512xf32>
      %select_n3A = arith.select %and3A, %broadcast_in_dim3A_40, %broadcast_in_dim3A_41 : vector<512x512xi1>, vector<512x512xf32>
      %reduce_sum3A_42 = arith.constant dense<0.000000e+00> : vector<512xf32>
      %reduce_sum3A_43 = vector.multi_reduction <add>, %select_n3A, %reduce_sum3A_42 [1] : vector<512x512xf32> to vector<512xf32>
      %broadcast_in_dim3A_44 = vector.shape_cast %reduce_sum3A_43 : vector<512xf32> to vector<512x1xf32>
      %jit3A_45 = arith.constant 1.000000e+00 : f32
      %jit3A_46 = arith.constant 0.000000e+00 : f32
      %broadcast_in_dim3A_47 = vector.broadcast %jit3A_45 : f32 to vector<512x512xf32>
      %broadcast_in_dim3A_48 = vector.broadcast %jit3A_46 : f32 to vector<512x512xf32>
      %select_n3A_49 = arith.select %eq3A_37, %broadcast_in_dim3A_47, %broadcast_in_dim3A_48 : vector<512x512xi1>, vector<512x512xf32>
      %reduce_sum3A_50 = arith.constant dense<0.000000e+00> : vector<512xf32>
      %reduce_sum3A_51 = vector.multi_reduction <add>, %select_n3A_49, %reduce_sum3A_50 [1] : vector<512x512xf32> to vector<512xf32>
      %broadcast_in_dim3A_52 = vector.shape_cast %reduce_sum3A_51 : vector<512xf32> to vector<512x1xf32>
      %sub3A = arith.subf %broadcast_in_dim3A_52, %broadcast_in_dim3A_44 : vector<512x1xf32>
      %eq3A_53 = vector.broadcast %transpose3A : vector<512x1xi32> to vector<512x512xi32>
      %eq3A_54 = arith.cmpi eq, %eq3A_53, %iota3A_38 : vector<512x512xi32>
      %jit3A_55 = arith.constant 0.000000e+00 : f32
      %broadcast_in_dim3A_56 = vector.shape_cast %broadcast_in_dim3A_33 : vector<1x512xf32> to vector<1x512xf32>
      %broadcast_in_dim3A_57 = vector.broadcast %broadcast_in_dim3A_56 : vector<1x512xf32> to vector<512x512xf32>
      %broadcast_in_dim3A_58 = vector.broadcast %jit3A_55 : f32 to vector<512x512xf32>
      %select_n3A_59 = arith.select %eq3A_54, %broadcast_in_dim3A_57, %broadcast_in_dim3A_58 : vector<512x512xi1>, vector<512x512xf32>
      %reduce_sum3A_60 = arith.constant dense<0.000000e+00> : vector<512xf32>
      %reduce_sum3A_61 = vector.multi_reduction <add>, %select_n3A_59, %reduce_sum3A_60 [1] : vector<512x512xf32> to vector<512xf32>
      %broadcast_in_dim3A_62 = vector.shape_cast %reduce_sum3A_61 : vector<512xf32> to vector<512x1xf32>
      %eq3A_63 = arith.constant 1.000000e+00 : f32
      %eq3A_64 = vector.broadcast %eq3A_63 : f32 to vector<512x1xf32>
      %eq3A_65 = arith.cmpf oeq, %broadcast_in_dim3A_44, %eq3A_64 : vector<512x1xf32>
      %eq3A_66 = arith.constant 0.000000e+00 : f32
      %eq3A_67 = vector.broadcast %eq3A_66 : f32 to vector<512x1xf32>
      %eq3A_68 = arith.cmpf oeq, %broadcast_in_dim3A_62, %eq3A_67 : vector<512x1xf32>
      %and3A_69 = arith.andi %eq3A_65, %eq3A_68 : vector<512x1xi1>
      %mul3A_70 = arith.constant -0.105360515 : f32
      %mul3A_71 = vector.broadcast %mul3A_70 : f32 to vector<512x1xf32>
      %mul3A_72 = arith.mulf %sub3A, %mul3A_71 : vector<512x1xf32>
      %exp3A = math.exp %mul3A_72 : vector<512x1xf32>
      %jit3A_73 = arith.constant 1.000000e+00 : f32
      %jit3A_74 = arith.constant 1.000000e-01 : f32
      %broadcast_in_dim3A_75 = vector.broadcast %jit3A_73 : f32 to vector<512x1xf32>
      %broadcast_in_dim3A_76 = vector.broadcast %jit3A_74 : f32 to vector<512x1xf32>
      %select_n3A_77 = arith.select %and3A_69, %broadcast_in_dim3A_75, %broadcast_in_dim3A_76 : vector<512x1xi1>, vector<512x1xf32>
      %mul3A_78 = arith.mulf %exp3A, %select_n3A_77 : vector<512x1xf32>
      %mul3A_79 = vector.broadcast %mul3A_78 : vector<512x1xf32> to vector<512x256xf32>
      %mul3A_80 = arith.mulf %mul3A_79, %div3A_23 : vector<512x256xf32>
      %slice3A = vector.extract_strided_slice %mul3A_80 {offsets = [0, 0], sizes = [512, 128], strides = [1, 1]} : vector<512x256xf32> to vector<512x128xf32>
      %swap3A_81 = arith.constant 0 : index
      %swap3A_82 = arith.constant 0 : index
      %swap3A_83 = arith.constant 0 : index
      %swap3A_84 = vector.load %arg11[%swap3A_81, %swap3A_82, %swap3A_83] : memref<2x512x128xf32, #tpu.memory_space<vmem>>, vector<1x512x128xf32>
      %swap3A_85 = vector.shape_cast %swap3A_84 : vector<1x512x128xf32> to vector<512x128xf32>
      %swap3A_86 = vector.shape_cast %slice3A : vector<512x128xf32> to vector<1x512x128xf32>
      tpu.vector_store %arg11[%swap3A_81, %swap3A_82, %swap3A_83], %swap3A_86 {strides = array<i32>} : memref<2x512x128xf32, #tpu.memory_space<vmem>>, vector<1x512x128xf32>,
      %slice3A_87 = vector.extract_strided_slice %mul3A_80 {offsets = [0, 128], sizes = [512, 128], strides = [1, 1]} : vector<512x256xf32> to vector<512x128xf32>
      %swap3A_88 = arith.constant 1 : index
      %swap3A_89 = arith.constant 0 : index
      %swap3A_90 = arith.constant 0 : index
      %swap3A_91 = vector.load %arg11[%swap3A_88, %swap3A_89, %swap3A_90] : memref<2x512x128xf32, #tpu.memory_space<vmem>>, vector<1x512x128xf32>
      %swap3A_92 = vector.shape_cast %swap3A_91 : vector<1x512x128xf32> to vector<512x128xf32>
      %swap3A_93 = vector.shape_cast %slice3A_87 : vector<512x128xf32> to vector<1x512x128xf32>
      tpu.vector_store %arg11[%swap3A_88, %swap3A_89, %swap3A_90], %swap3A_93 {strides = array<i32>} : memref<2x512x128xf32, #tpu.memory_space<vmem>>, vector<1x512x128xf32>,
      %eq3A_94 = vector.broadcast %broadcast_in_dim3A_30 : vector<1x512xi32> to vector<512x512xi32>
      %eq3A_95 = arith.cmpi eq, %iota3A, %eq3A_94 : vector<512x512xi32>
      %jit3A_96 = arith.constant 1.000000e+00 : f32
      %jit3A_97 = arith.constant 0.000000e+00 : f32
      %broadcast_in_dim3A_98 = vector.broadcast %jit3A_96 : f32 to vector<512x512xf32>
      %broadcast_in_dim3A_99 = vector.broadcast %jit3A_97 : f32 to vector<512x512xf32>
      %select_n3A_100 = arith.select %eq3A_95, %broadcast_in_dim3A_98, %broadcast_in_dim3A_99 : vector<512x512xi1>, vector<512x512xf32>
      %reduce_sum3A_101 = arith.constant dense<0.000000e+00> : vector<512xf32>
      %reduce_sum3A_102 = vector.multi_reduction <add>, %select_n3A_100, %reduce_sum3A_101 [1] : vector<512x512xf32> to vector<512xf32>
      %broadcast_in_dim3A_103 = vector.shape_cast %reduce_sum3A_102 : vector<512xf32> to vector<512x1xf32>
      %eq3A_104 = arith.constant 0.000000e+00 : f32
      %eq3A_105 = vector.broadcast %eq3A_104 : f32 to vector<512x1xf32>
      %eq3A_106 = arith.cmpf oeq, %transpose3A_34, %eq3A_105 : vector<512x1xf32>
      %gt3A = arith.constant 0.000000e+00 : f32
      %gt3A_107 = vector.broadcast %gt3A : f32 to vector<512x1xf32>
      %gt3A_108 = arith.cmpf ogt, %broadcast_in_dim3A_103, %gt3A_107 : vector<512x1xf32>
      %and3A_109 = arith.andi %eq3A_106, %gt3A_108 : vector<512x1xi1>
      %mul3A_110 = arith.constant -0.105360515 : f32
      %mul3A_111 = vector.broadcast %mul3A_110 : f32 to vector<512x1xf32>
      %mul3A_112 = arith.mulf %broadcast_in_dim3A_103, %mul3A_111 : vector<512x1xf32>
      %exp3A_113 = math.exp %mul3A_112 : vector<512x1xf32>
      %jit3A_114 = arith.constant 0.000000e+00 : f32
      %broadcast_in_dim3A_115 = vector.broadcast %jit3A_114 : f32 to vector<512x1xf32>
      %select_n3A_116 = arith.select %and3A_109, %broadcast_in_dim3A_115, %exp3A_113 : vector<512x1xi1>, vector<512x1xf32>
      %get3A_117 = arith.constant 0 : index
      %get3A_118 = arith.constant 0 : index
      %get3A_119 = vector.load %arg8[%get3A_117, %get3A_118] : memref<512x256xf32, #tpu.memory_space<vmem>>, vector<512x256xf32>
      %mul3A_120 = vector.broadcast %select_n3A_116 : vector<512x1xf32> to vector<512x256xf32>
      %mul3A_121 = arith.mulf %mul3A_120, %get3A_119 : vector<512x256xf32>
      %slice3A_122 = vector.extract_strided_slice %mul3A_121 {offsets = [0, 0], sizes = [512, 128], strides = [1, 1]} : vector<512x256xf32> to vector<512x128xf32>
      %swap3A_123 = arith.constant 0 : index
      %swap3A_124 = arith.constant 0 : index
      %swap3A_125 = arith.constant 0 : index
      %swap3A_126 = vector.load %arg10[%swap3A_123, %swap3A_124, %swap3A_125] : memref<2x512x128xf32, #tpu.memory_space<vmem>>, vector<1x512x128xf32>
      %swap3A_127 = vector.shape_cast %swap3A_126 : vector<1x512x128xf32> to vector<512x128xf32>
      %swap3A_128 = vector.shape_cast %slice3A_122 : vector<512x128xf32> to vector<1x512x128xf32>
      tpu.vector_store %arg10[%swap3A_123, %swap3A_124, %swap3A_125], %swap3A_128 {strides = array<i32>} : memref<2x512x128xf32, #tpu.memory_space<vmem>>, vector<1x512x128xf32>,
      %slice3A_129 = vector.extract_strided_slice %mul3A_121 {offsets = [0, 128], sizes = [512, 128], strides = [1, 1]} : vector<512x256xf32> to vector<512x128xf32>
      %swap3A_130 = arith.constant 1 : index
      %swap3A_131 = arith.constant 0 : index
      %swap3A_132 = arith.constant 0 : index
      %swap3A_133 = vector.load %arg10[%swap3A_130, %swap3A_131, %swap3A_132] : memref<2x512x128xf32, #tpu.memory_space<vmem>>, vector<1x512x128xf32>
      %swap3A_134 = vector.shape_cast %swap3A_133 : vector<1x512x128xf32> to vector<512x128xf32>
      %swap3A_135 = vector.shape_cast %slice3A_129 : vector<512x128xf32> to vector<1x512x128xf32>
      tpu.vector_store %arg10[%swap3A_130, %swap3A_131, %swap3A_132], %swap3A_135 {strides = array<i32>} : memref<2x512x128xf32, #tpu.memory_space<vmem>>, vector<1x512x128xf32>,
    } else {
    }
    return
  }
  func.func @transform_0(%arg0: i32) -> (i32, i32) {
    %c0_i32 = arith.constant 0 : i32
    %c0_i32_0 = arith.constant 0 : i32
    return %arg0, %c0_i32 : i32, i32
  }
  func.func @transform_1(%arg0: i32) -> (i32, i32) {
    %c0_i32 = arith.constant 0 : i32
    %c0_i32_0 = arith.constant 0 : i32
    %c0_i32_1 = arith.constant 0 : i32
    return %c0_i32, %c0_i32_0 : i32, i32
  }
  func.func @transform_2(%arg0: i32) -> i32 {
    %c0_i32 = arith.constant 0 : i32
    %c0_i32_0 = arith.constant 0 : i32
    return %c0_i32 : i32
  }
  func.func @transform_3(%arg0: i32) -> (i32, i32) {
    %c0_i32 = arith.constant 0 : i32
    %c0_i32_0 = arith.constant 0 : i32
    %c0_i32_1 = arith.constant 0 : i32
    return %c0_i32, %c0_i32_0 : i32, i32
  }
  func.func @transform_4(%arg0: i32) -> i32 {
    %c0_i32 = arith.constant 0 : i32
    %c0_i32_0 = arith.constant 0 : i32
    return %c0_i32 : i32
  }
  func.func @transform_5(%arg0: i32) -> i32 {
    %c0_i32 = arith.constant 0 : i32
    %c0_i32_0 = arith.constant 0 : i32
    return %c0_i32 : i32
  }
  func.func @transform_6(%arg0: i32) -> i32 {
    %c0_i32 = arith.constant 0 : i32
    %c0_i32_0 = arith.constant 0 : i32
    return %c0_i32 : i32
  }
  func.func @transform_7(%arg0: i32) -> (i32, i32) {
    %c0_i32 = arith.constant 0 : i32
    %c0_i32_0 = arith.constant 0 : i32
    %c0_i32_1 = arith.constant 0 : i32
    return %c0_i32, %c0_i32_0 : i32, i32
  }
  func.func @transform_8(%arg0: i32) -> (i32, i32) {
    %c0_i32 = arith.constant 0 : i32
    %c0_i32_0 = arith.constant 0 : i32
    return %arg0, %c0_i32 : i32, i32
  }
  func.func @transform_9(%arg0: i32) -> (i32, i32, i32) {
    %c0_i32 = arith.constant 0 : i32
    %c0_i32_0 = arith.constant 0 : i32
    %c0_i32_1 = arith.constant 0 : i32
    %c0_i32_2 = arith.constant 0 : i32
    return %c0_i32, %c0_i32_0, %c0_i32_1 : i32, i32, i32
  }
  func.func @transform_10(%arg0: i32) -> (i32, i32, i32) {
    %c0_i32 = arith.constant 0 : i32
    %c0_i32_0 = arith.constant 0 : i32
    %c0_i32_1 = arith.constant 0 : i32
    %c0_i32_2 = arith.constant 0 : i32
    return %c0_i32, %c0_i32_0, %c0_i32_1 : i32, i32, i32
  }
}

</mosaic_0001>

<sc_bundles>
// kernel: kernel.5.cloned.1.call-start
scs
__scs_entry_jumppad:
0x0: {  	(pc) =	sbr.rel $0x88, $3  }
0x1: {  	(tag) =	ssettag $0x0;
	lr =	simm.s32 $0x1  }
0x2: {  	[smem:$0x3F8F] =	sst lr;
	_ =	strace $0xD0000000  }
0x3: {  	_ = 	snop  }
0x4: {  	_ = 	snop  }
0x5: {  	_ = 	snop  }
0x6: {  	_ = 	snop  }
0x7: {  	_ = 	snop  }
__scs_overlays_trampoline_lowered:
0x8: {  	[smem:$0x3F9E] =	sst s0  }
0x9: {  	[smem:$0x3F9F] =	sst s1  }
0xa: {  	[smem:$0x3FA0] =	sst s2  }
0xb: {  	[smem:$0x3FA1] =	sst s3  }
0xc: {  	[smem:$0x3FA2] =	sst s4  }
0xd: {  	[smem:$0x3FA3] =	sst s5  }
0xe: {  	[smem:$0x3FA4] =	sst s6  }
0xf: {  	[smem:$0x3FA5] =	sst s7  }
0x10: {  	[smem:$0x3FA6] =	sst s8  }
0x11: {  	[smem:$0x3FA7] =	sst s9;
	s0 =	simm.s32 @!p0 $0x0  }
0x12: {  	s1 =	sld [smem:$0x3F8D];
	s0 =	simm.s32 @p0 $0x1  }
0x13: {  	[smem:$0x3FA8] =	sst s0;
	s0 =	simm.s32 @!p1 $0x0  }
0x14: {  	s2 =	sld [smem:$0x3F8C];
	s0 =	simm.s32 @p1 $0x1  }
0x15: {  	[smem:$0x3FA9] =	sst s0;
	s0 =	simm.s32 @!p2 $0x0  }
0x16: {  	s3 =	sld [smem:$0x3FDB];
	s0 =	simm.s32 @p2 $0x1  }
0x17: {  	s4 =	simm.s32 $0x1BF5;
	[smem:$0x3FAB] =	sst s0  }
0x18: {  	s0 =	sld [smem:$0x3F8E];
	_ =	swait.ge [sflag:s4], $0x0  }
0x19: {  	s7 =	sld [smem:$0x3F8F]  }
0x1a: {  	s8 =	sadd.s32 $0xFFFFE003, lr  }
0x1b: {  	s9 =	sadd.s32 $0xFFFFFEF7, lr;
	s5 =	simm.s32 $0xFFFFFFFF;
	p2 =	slt.u32 s8, $0xFFFFF086  }
0x1c: {  	p1 =	slt.u32 s9, $0xF7A;
	s5 =	simm.s32 @!p2 $0x0  }
0x1d: {  	s5 =	simm.s32 @p1 $0x1;
	p0 =	seq.s32 s7, s2  }
0x1e: {  	s7 =	smul.u32 @!p0 $0xF7A, s2;
	p2 =	seq.s32 @!p0 s5, $0x0  }
0x1f: {  	s9 =	smul.u32 $0xF7A, s1;
	s8 =	simm.s32 @!p0 $0x1BF5;
	p2 =	por !p2, p0  }
0x20: {  	[sflag:s8] =	ssyncset.s32 @!p0 $0xFFFFF086;
	s6 =	sadd.s32 @!p0 s3, s7;
	s7 =	simm.s32 @!p0 $0x108  }
0x21: {  	s3 =	sadd.s32 s3, s9;
	s6 =	sadd.s32 @!p0 $0x88, s6;
	s7 =	simm.s32 @p2 $0x1082  }
0x22: {  	[simem:s7], [sflag:s8] =	dma.local @!p0 [hbm:s6], $0xF7A  }
0x23: {  	s9 =	sor.u32 $0xD0000000, s2;
	s6 =	simm.s32 $0x108;
	_ =	swait.ge @!p0 [sflag:s8], $0x0  }
0x24: {  	s3 =	sadd.s32 $0x88, s3;
	s6 =	simm.s32 @!p1 $0x1082;
	[sflag:s4] =	ssyncset.s32 $0xFFFFF086  }
0x25: {  	[simem:s6], [sflag:s4] =	dma.local [hbm:s3], $0xF7A  }
0x26: {  	[smem:$0x3F8F] =	sst s1;
	(tag) =	ssettag s2;
	_ =	strace s9  }
0x27: {  	s1 =	sld [smem:$0x3F9F]  }
0x28: {  	s2 =	sld [smem:$0x3FA0]  }
0x29: {  	s4 =	sld [smem:$0x3FA2]  }
0x2a: {  	p0 =	seq.s32 s5, $0x0;
	s5 =	sld [smem:$0x3FA3]  }
0x2b: {  	s6 =	sld [smem:$0x3FA4]  }
0x2c: {  	s7 =	sld [smem:$0x3FA5]  }
0x2d: {  	s3 =	simm.s32 $0x108;
	s8 =	sld [smem:$0x3FA6]  }
0x2e: {  	s3 =	simm.s32 @!p0 $0x1082;
	s9 =	sld [smem:$0x3FA7]  }
0x2f: {  	lr =	sadd.s32 s0, s3;
	s0 =	sld [smem:$0x3F9E]  }
0x30: {  	s3 =	sld [smem:$0x3FA1]  }
0x31: {  	[smem:$0x3FAA] =	sst s10  }
0x32: {  	s10 =	sld [smem:$0x3FA8];
	_ =	sdelay $0x3  }
0x33: {  	p0 =	seq.s32 s10, $0x1;
	s10 =	sld [smem:$0x3FAA];
	_ =	sdelay $0x3  }
0x34: {  	[smem:$0x3FAA] =	sst s10  }
0x35: {  	s10 =	sld [smem:$0x3FA9];
	_ =	sdelay $0x3  }
0x36: {  	p1 =	seq.s32 s10, $0x1;
	s10 =	sld [smem:$0x3FAA];
	_ =	sdelay $0x3  }
0x37: {  	[smem:$0x3FAA] =	sst s10  }
0x38: {  	s10 =	sld [smem:$0x3FAB]  }
0x39: {  	_ = 	snop;
	(pc) =	sbr.ind lr, $3  }
0x3a: {  	_ = 	snop  }
0x3b: {  	_ = 	snop  }
0x3c: {  	p2 =	seq.s32 s10, $0x1;
	s10 =	sld [smem:$0x3FAA]  }
0x3d: {  	_ =	shalt  }
0x3e: {  	_ =	shalt  }
0x3f: {  	_ =	shalt  }
0x40: {  	_ =	shalt  }
0x41: {  	_ =	shalt  }
0x42: {  	_ =	shalt  }
0x43: {  	_ =	shalt  }
0x44: {  	_ =	shalt  }
0x45: {  	_ =	shalt  }
0x46: {  	_ =	shalt  }
0x47: {  	_ =	shalt  }
0x48: {  	_ =	shalt  }
0x49: {  	_ =	shalt  }
0x4a: {  	_ =	shalt  }
0x4b: {  	_ =	shalt  }
0x4c: {  	_ =	shalt  }
0x4d: {  	_ =	shalt  }
0x4e: {  	_ =	shalt  }
0x4f: {  	_ =	shalt  }
0x50: {  	_ =	shalt  }
0x51: {  	_ =	shalt  }
0x52: {  	_ =	shalt  }
0x53: {  	_ =	shalt  }
0x54: {  	_ =	shalt  }
0x55: {  	_ =	shalt  }
0x56: {  	_ =	shalt  }
0x57: {  	_ =	shalt  }
0x58: {  	_ =	shalt  }
0x59: {  	_ =	shalt  }
0x5a: {  	_ =	shalt  }
0x5b: {  	_ =	shalt  }
0x5c: {  	_ =	shalt  }
0x5d: {  	_ =	shalt  }
0x5e: {  	_ =	shalt  }
0x5f: {  	_ =	shalt  }
0x60: {  	_ =	shalt  }
0x61: {  	_ =	shalt  }
0x62: {  	_ =	shalt  }
0x63: {  	_ =	shalt  }
0x64: {  	_ =	shalt  }
0x65: {  	_ =	shalt  }
0x66: {  	_ =	shalt  }
0x67: {  	_ =	shalt  }
0x68: {  	_ =	shalt  }
0x69: {  	_ =	shalt  }
0x6a: {  	_ =	shalt  }
0x6b: {  	_ =	shalt  }
0x6c: {  	_ =	shalt  }
0x6d: {  	_ =	shalt  }
0x6e: {  	_ =	shalt  }
0x6f: {  	_ =	shalt  }
0x70: {  	_ =	shalt  }
0x71: {  	_ =	shalt  }
0x72: {  	_ =	shalt  }
0x73: {  	_ =	shalt  }
0x74: {  	_ =	shalt  }
0x75: {  	_ =	shalt  }
0x76: {  	_ =	shalt  }
0x77: {  	_ =	shalt  }
0x78: {  	_ =	shalt  }
0x79: {  	_ =	shalt  }
0x7a: {  	_ =	shalt  }
0x7b: {  	_ =	shalt  }
0x7c: {  	_ =	shalt  }
0x7d: {  	_ =	shalt  }
0x7e: {  	_ =	shalt  }
0x7f: {  	_ =	shalt  }
0x80: {  	_ =	shalt  }
0x81: {  	_ =	shalt  }
0x82: {  	_ =	shalt  }
0x83: {  	_ =	shalt  }
0x84: {  	_ =	shalt  }
0x85: {  	_ =	shalt  }
0x86: {  	_ =	shalt  }
0x87: {  	_ =	shalt  }
.Lfunc_end0:
.L_simem_size_0:
called_computation_lowered:
.L_overlay_start_0:
0x88: {  	s2 =	sld [smem:$0x3FD9]  }
0x89: {  	s3 =	sld [smem:$0x3FFE];
	_ =	sdelay $0x1  }
0x8a: {  	s1 =	srdreg.scid  }
0x8b: {  	s0 =	sand.u32 $0x1, s1  }
0x8c: {  	s14 =	sshll.u32 s0, $0xA;
	s2 =	sadd.s32 s3, s2  }
0x8d: {  	s2 =	sadd.s32 s2, s14  }
0x8e: {  	[smem:$0x3FB6] =	sst s2  }
0x8f: {  	_ = 	snop  }
0x90: {  	s2 =	sld [smem:$0x3FD0];
	_ =	sdelay $0x2  }
0x91: {  	s4 =	simm.s32 $0xA;
	s5 =	simm.s32 $0x10;
	s15 =	sld [smem:$0x3FC8]  }
0x92: {  	[smem:s5], [sflag:s4] =	dma.local [hbm:s2], $0x1  }
0x93: {  	_ =	swait.eq [sflag:s4], $0x1  }
0x94: {  	[sflag:s4] =	ssyncset.done $0x0  }
0x95: {  	[sflag:s4] =	ssyncadd.s32 $0xFFFFFFFF  }
0x96: {  	s16 =	sld [smem:$0x12];
	(tm) =	ssettm $0x1  }
0x97: {  	s17 =	sld [smem:$0x3FFB];
	_ =	sdelay $0x3  }
0x98: {  	_ =	strace s17  }
0x99: {  	s4 =	sld [smem:$0x3FFC];
	_ =	sdelay $0x3  }
0x9a: {  	_ =	strace s4  }
0x9b: {  	s4 =	sld [smem:$0x3FFD];
	_ =	sdelay $0x3  }
0x9c: {  	_ =	strace s4  }
0x9d: {  	_ =	strace $0x8FFFFFFF  }
0x9e: {  	s18 =	sld [smem:$0x3FDB];
	_ =	sdelay $0x1  }
0x9f: {  	s19 =	simm.s32 $_scs_section_size  }
0xa0: {  	s6 =	simm.s32 $_size__tile_overlayer_lowered;
	s7 =	simm.s32 $_tile_overlayer_lowered  }
0xa1: {  	s22 =	simm.s32 $0x1BFF;
	s21 =	sshll.u32 s7, $0x1;
	s4 =	sadd.s32 s19, s18  }
0xa2: {  	s8 =	simm.s32 $0x0;
	s20 =	sshll.u32 s6, $0x1;
	s6 =	sadd.s32 s21, s4  }
0xa3: {  	[timem:s8], [sflag:s22] =	dma.local [hbm:s6], s20  }
0xa4: {  	_ =	swait.ge [sflag:s22], s20  }
0xa5: {  	s5 =	ssub.s32 $0x0, s20;
	[sflag:s22] =	ssyncset.done $0x0  }
0xa6: {  	[sflag:s22] =	ssyncadd.s32 s5;
	_ =	sdelay $0x1  }
0xa7: {  	s23 =	simm.s32 $0x1B8B  }
0xa8: {  	_ =	swait.ge [sflag:s23], $0x1  }
0xa9: {  	[sflag:s23] =	ssyncset.done $0x0  }
0xaa: {  	s25 =	simm.s32 $0x1B8E;
	s24 =	sld [smem:$0x3FFE];
	[sflag:s23] =	ssyncadd.s32 $0xFFFFFFFF  }
0xab: {  	s26 =	simm.s32 $execute0_lowered;
	[smem:$0x3FD2] =	sst s25  }
0xac: {  	s6 =	sshll.u32 s26, $0x1;
	_ =	strace $0x80000046;
	[dreg:$0x1] =	wrdreg $0xFFFFFFFF  }
0xad: {  	s28 =	simm.s32 $_size_execute0_lowered;
	s4 =	sadd.s32 s4, s6;
	[dreg:$0x0] =	wrdreg $0x0  }
0xae: {  	s6 =	sshll.u32 s28, $0x1;
	[dreg:$0x2] =	wrdreg s4  }
0xaf: {  	[dreg:$0x3] =	wrdreg s6  }
0xb0: {  	[dreg:$0x4] =	wrdreg $0xC0  }
0xb1: {  	_ =	task [dreg:s8], $0x5FFFF  }
0xb2: {  	[dreg:$0x1] =	wrdreg $0xFFFFFFFF  }
0xb3: {  	[dreg:$0x0] =	wrdreg $0x60  }
0xb4: {  	[dreg:$0x2] =	wrdreg s16  }
0xb5: {  	[dreg:$0x3] =	wrdreg s24  }
0xb6: {  	[dreg:$0x4] =	wrdreg s15  }
0xb7: {  	[dreg:$0x5] =	wrdreg $0x10800  }
0xb8: {  	[dreg:$0x6] =	wrdreg $0x9  }
0xb9: {  	_ =	task.clear_ibuf [dreg:s8], $0x7FFFF;
	_ =	strace $0x90000046  }
0xba: {  	s29 =	simm.s32 $0x9;
	_ =	strace $0x80000048  }
0xbb: {  	_ =	swait.ge [sflag:s29], $0x1  }
0xbc: {  	[sflag:s29] =	ssyncadd.s32 $0xFFFFFFFF  }
0xbd: {  	_ =	strace $0x90000048  }
0xbe: {  	_ =	sfence  }
0xbf: {  	s30 =	sld [smem:$0x0];
	_ =	sdelay $0x2  }
0xc0: {  	s31 =	sshll.u32 s1, $0xD;
	s1 =	sshrl.u32 s1, $0x2  }
0xc1: {  	s3 =	sand.u32 $0x4000, s31;
	s1 =	sadd.s32 s1, s30  }
0xc2: {  	s0 =	sor.u32 s3, s0;
	s1 =	sshll.u32 s1, $0x11  }
0xc3: {  	s0 =	sor.u32 s1, s0  }
0xc4: {  	s0 =	sadd.s32 $0x8F2B, s0  }
0xc5: {  	[sflag:s0] =	ssyncadd.remote.s32 $0x1  }
0xc6: {  	_ =	sfence.sel $0xFFFF  }
0xc7: {  	[dreg:$0x0] =	wrdreg $0xFFFFFFFF;
	(pc) =	sbr.abs _section_cstart, $3  }
0xc8: {  	[dreg:$0x1] =	wrdreg $0xFFFFFFFF  }
0xc9: {  	_ =	task.clear_ibuf [dreg:s8], $0x2FFFF;
	_ =	strace $0x9FFFFFFF  }
0xca: {  	(tm) =	ssettm $0x7FFFFFFF  }
0xcb: {  	_ =	shalt  }
tec
execute0_lowered:
.L_overlay_start_1:
0x0: {  	(tag) =	ssettag $0x1  }
0x1: {  	s4 =	rddreg [dreg:$0x0]  }
0x2: {  	s5 =	rddreg [dreg:$0x1]  }
0x3: {  	s6 =	rddreg [dreg:$0x2]  }
0x4: {  	s2 =	rddreg [dreg:$0x3];
	s3 =	srdreg.scid  }
0x5: {  	s0 =	rddreg [dreg:$0x4];
	s1 =	stileid.u32;
	s13 =	sand.u32 $0x1, s3  }
0x6: {  	s3 =	simm.s32 $0x0;
	s8 =	sshll.u32 s1, $0x9;
	s30 =	sshll.u32 s1, $0xC  }
0x7: {  	s15 =	sshll.u32 s1, $0x6;
	s31 =	sshll.u32 s1, $0x2;
	s7 =	sshll.u32 s13, $0xD  }
0x8: {  	[smem:$0x7FF] =	sst s3;
	s6 =	sadd.s32 s6, s31;
	s7 =	sor.u32 s8, s7  }
0x9: {  	_ =	strace $0x80000047;
	s8 =	sadd.s32 s30, s2;
	s14 =	sadd.s32 s7, s5  }
0xa: {  	s4 =	sadd.s32 s4, s7;
	s5 =	sor.u32 $0x1C01, s15;
	s7 =	sshrl.u32 s8, $0x3  }
0xb: {  	[spmem:s7], [sflag:s5] =	dma.local [hbm:s4], $0x200  }
0xc: {  	[tilespmem:s3], [sflag:$0x1] =	stream.linear.gather [hbm4b:s6+s3], $0x20, $0x38;
	[tilespmem:$0x2080] =	vst v63  }
0xd: {  	s9 =	simm.s32 $0x80;
	s10 =	simm.s32 $0x1;
	s8 =	sadd.s32 $0x3000, s14  }
0xe: {  	[tilespmem:s9], [sflag:$0x1] =	stream.linear.gather [hbm4b:s8+s3], $0x1000, $0x38;
	[tilespmem:$0x2080] =	vst v63  }
0xf: {  	_ =	swait.ge [sflag:s10], $0x200  }
0x10: {  	[sflag:s10] =	ssyncset.done $0x0  }
0x11: {  	[sflag:s10] =	ssyncadd.s32 $0xFFFFFE00  }
0x12: {  	_ =	swait.ge [sflag:s10], $0x20  }
0x13: {  	[sflag:s10] =	ssyncset.done $0x0  }
0x14: {  	[sflag:s10] =	ssyncadd.s32 $0xFFFFFFE0  }
0x15: {  	_ =	swait.ge [sflag:s10], $0x1000  }
0x16: {  	s13 =	ssub.s32 $0x2, s13;
	[sflag:s10] =	ssyncset.done $0x0  }
0x17: {  	s12 =	simm.s32 $0x20;
	s16 =	sshrl.u32 s13, $0x1;
	[sflag:s10] =	ssyncadd.s32 $0xFFFFF000  }
0x18: {  	s11 =	simm.s32 $0x2;
	s16 =	ssub.s32 s13, s16;
	[bflag:$0x0] =	sbarrier.arrive $0xFFFF  }
0x19: {  	[spmem:s2] =	stream.indirect.scatter.add.f32 [tilespmem:s9], [sflag:$0x2], $0x80, s3, s12, $0xb8;
	[tilespmem:$0x2080] =	vst v63  }
0x1a: {  	s16 =	smax.u32 s16, $0x1;
	_ =	swait.ge [sflag:s11], $0x1000  }
0x1b: {  	p0 =	sne.s32 s16, $0x1;
	[sflag:s11] =	ssyncset.done $0x0  }
.Ltmp0:
0x1c: {  	[sflag:s11] =	ssyncadd.s32 $0xFFFFF000;
	(pc) =	sbr.rel @!p0 .LBB2_2-.Ltmp0, $4  }
0x1d: {  	s13 =	sadd.s32 $0x7000, s14;
	s14 =	sor.u32 $0x1C02, s15;
	[bflag:$0x0] =	sbarrier.arrive $0xFFFF  }
0x1e: {  	[hbm:s13], [sflag:s14] =	dma.local [spmem:s7], $0x200  }
0x1f: {  	_ =	swait.ge [sflag:s11], $0x200  }
0x20: {  	s15 =	sadd.s32 $0xFFFFFFFF, s16;
	[sflag:s11] =	ssyncset.done $0x0  }
.LBB2_1:
0x21: {  	p0 =	sne.s32 s15, $0x1;
	s15 =	sadd.s32 $0xFFFFFFFF, s15;
	[sflag:s11] =	ssyncadd.s32 $0xFFFFFE00  }
0x22: {  	[spmem:s7], [sflag:s5] =	dma.local [hbm:s4], $0x200  }
0x23: {  	[tilespmem:s3], [sflag:$0x1] =	stream.linear.gather [hbm4b:s6+s3], $0x20, $0x38;
	[tilespmem:$0x2080] =	vst v63  }
0x24: {  	_ = 	snop  }
0x25: {  	[tilespmem:s9], [sflag:$0x1] =	stream.linear.gather [hbm4b:s8+s3], $0x1000, $0x38;
	[tilespmem:$0x2080] =	vst v63  }
0x26: {  	_ =	swait.ge [sflag:s10], $0x200  }
0x27: {  	[sflag:s10] =	ssyncset.done $0x0  }
0x28: {  	[sflag:s10] =	ssyncadd.s32 $0xFFFFFE00  }
0x29: {  	_ =	swait.ge [sflag:s10], $0x20  }
0x2a: {  	[sflag:s10] =	ssyncset.done $0x0  }
0x2b: {  	[sflag:s10] =	ssyncadd.s32 $0xFFFFFFE0  }
0x2c: {  	_ =	swait.ge [sflag:s10], $0x1000  }
0x2d: {  	[sflag:s10] =	ssyncset.done $0x0  }
0x2e: {  	[sflag:s10] =	ssyncadd.s32 $0xFFFFF000  }
0x2f: {  	[bflag:$0x0] =	sbarrier.arrive $0xFFFF  }
0x30: {  	[spmem:s2] =	stream.indirect.scatter.add.f32 [tilespmem:s9], [sflag:$0x2], $0x80, s3, s12, $0xb8;
	[tilespmem:$0x2080] =	vst v63  }
0x31: {  	_ =	swait.ge [sflag:s11], $0x1000  }
0x32: {  	[sflag:s11] =	ssyncset.done $0x0  }
.Ltmp1:
0x33: {  	[sflag:s11] =	ssyncadd.s32 $0xFFFFF000;
	(pc) =	sbr.rel @p0 .LBB2_1-.Ltmp1, $4  }
0x34: {  	[bflag:$0x0] =	sbarrier.arrive $0xFFFF  }
0x35: {  	[hbm:s13], [sflag:s14] =	dma.local [spmem:s7], $0x200  }
0x36: {  	_ =	swait.ge [sflag:s11], $0x200  }
0x37: {  	[sflag:s11] =	ssyncset.done $0x0  }
.LBB2_2:
0x38: {  	[sflag:s11] =	ssyncadd.s32 $0xFFFFFE00  }
0x39: {  	_ =	sfence.sel $0x180000  }
0x3a: {  	[bflag:$0x0] =	sbarrier.arrive $0xFFFF  }
0x3b: {  	p0 =	sne.s32 s1, $0x0;
	_ =	strace $0x90000047  }
0x3c: {  	s0 =	sadd.s32 @!p0 $0x100000, s0;
	[bflag:$0x2] =	sbarrier.arrive $0xFFFF  }
0x3d: {  	[sflag:s0] =	ssyncadd.tile.s32 @!p0 $0x1;
	_ =	shalt  }
.Lfunc_end2:
_tile_overlayer_lowered:
.L_overlay_start_2:
0x3e: {  	(tag) =	ssettag $0x2  }
0x3f: {  	s0 =	rddreg [dreg:$0x0];
	s2 =	stileid.u32  }
0x40: {  	s1 =	rddreg [dreg:$0x1];
	p0 =	sne.s32 s2, $0x0  }
0x41: {  	s3 =	rddreg [dreg:$0x2];
	[bflag:$0x3] =	sbarrier.arrive $0xFFFF;
	s2 =	simm.s32 @!p0 $0x1C02  }
0x42: {  	[timem:s3], [sflag:s2] =	dma.local @!p0 [hbm:s0], s1  }
0x43: {  	s0 =	simm.s32 @!p0 $0x2  }
0x44: {  	_ =	swait.ge @!p0 [sflag:s0], s1  }
0x45: {  	s1 =	ssub.s32 @!p0 $0x0, s1;
	[sflag:s0] =	ssyncset.done @!p0 $0x0  }
0x46: {  	[sflag:s0] =	ssyncadd.s32 @!p0 s1  }
0x47: {  	[bflag:$0x3] =	sbarrier.arrive $0xFFFF  }
0x48: {  	_ =	shalt  }

</sc_bundles>
